<compile_context>
chip_gen: v7x
topology: tpu7x:2x2x1
jax: 0.10.2.dev20260603
libtpu: 0.0.44.dev20260713+nightly
codegen_flags: <defaults>
</compile_context>

<pallas_src>
import functools

import jax
import jax.numpy as jnp
from jax import lax
from jax.experimental import pallas as pl
from jax.experimental.pallas import tpu as pltpu
from jax.experimental.pallas import tpu_sc as plsc

_NC = 2
_NS = 16
_NW = _NC * _NS

_CHUNK = 128
_NBUF = 6
_LAG = 3


@functools.lru_cache(maxsize=None)
def _build(n_rows: int, d: int):
    rows_w = n_rows // _NW
    nchunks_w = rows_w // _CHUNK
    assert n_rows % (_NW * _CHUNK) == 0 and nchunks_w > _NBUF

    mesh = plsc.VectorSubcoreMesh(core_axis_name="c", subcore_axis_name="s")

    @functools.partial(
        pl.kernel,
        mesh=mesh,
        out_type=jax.ShapeDtypeStruct((n_rows, d), jnp.float32),
        scratch_types=[
            pltpu.VMEM((nchunks_w, _CHUNK), jnp.int32),
            pltpu.VMEM((_NBUF, _CHUNK, d), jnp.float32),
            pltpu.SemaphoreType.DMA((_NBUF,)),
            pltpu.SemaphoreType.DMA((_NBUF,)),
        ],
    )
    def k(idx_hbm, table_hbm, out_hbm, idx_v, bufs, gsem, ssem):
        wid = lax.axis_index("s") * _NC + lax.axis_index("c")
        base_row = wid * rows_w

        pltpu.sync_copy(idx_hbm.at[wid], idx_v)

        def gather_copy(j, b):
            return pltpu.make_async_copy(
                table_hbm.at[idx_v.at[j]], bufs.at[b], gsem.at[b]
            )

        def out_copy(j, b):
            return pltpu.make_async_copy(
                bufs.at[b],
                out_hbm.at[pl.ds(base_row + j * _CHUNK, _CHUNK)],
                ssem.at[b],
            )

        for b in range(_NBUF):
            gather_copy(b, b).start()

        def body(j, _):
            b = lax.rem(j, _NBUF)
            gather_copy(j, b).wait()
            out_copy(j, b).start()

            @pl.when(jnp.logical_and(j >= _LAG, j < nchunks_w - _NBUF + _LAG))
            def _():
                jd = j - _LAG
                bd = lax.rem(jd, _NBUF)
                out_copy(jd, bd).wait()
                gather_copy(jd + _NBUF, bd).start()

            return ()

        lax.fori_loop(0, nchunks_w, body, (), unroll=False)

        for j in range(nchunks_w - _NBUF, nchunks_w):
            out_copy(j, j % _NBUF).wait()

    return k


def kernel(x, table):
    bsz, seq = x.shape
    vocab, d = table.shape
    n_rows = bsz * seq
    idx2d = x.reshape(_NW, n_rows // (_NW * _CHUNK), _CHUNK).astype(jnp.int32)
    out = _build(n_rows, d)(idx2d, table)
    return out.reshape(bsz, seq, d)

# --- scband reference (transcript-rebuilt; emitter-appended) ---
"""Pipeline reference for scband-word-rep-8907762172358 (READ-ONLY COPY).

The authoritative reference and input builder live on the scoring server;
editing this copy changes nothing except your own understanding.
"""

import jax, jax.numpy as jnp
import numpy as np

VOCAB = 100000
EMBED_DIM = 128
BATCH = 1024
SEQ_LEN = 200


def setup_inputs(seed: int = 0) -> dict:
    key = jax.random.key(seed)
    k1, k2 = jax.random.split(key)
    x = jax.random.randint(k1, (BATCH, SEQ_LEN), 0, VOCAB, dtype=jnp.int64 if jax.config.jax_enable_x64 else jnp.int32)
    table = jax.random.normal(k2, (VOCAB, EMBED_DIM), dtype=jnp.float32) * 0.02
    # padding_idx=0: padding row is zero
    table = table.at[0].set(0.0)
    return {"x": x, "table": table}


def reference(x, table):
    # features = [self.embed(x)]
    emb = jnp.take(table, x, axis=0)  # [B, L, D]
    # x = torch.cat(features, dim=2)  (single feature -> identity concat)
    feat = jnp.concatenate([emb], axis=2)
    # embed_drop is identity in eval mode
    return feat

if __name__ == "__main__":
    import jax
    _d = setup_inputs()
    print(jax.jit(kernel)(*tuple(_d.values())))

</pallas_src>

<mosaic_0001>
#map = affine_map<(d0, d1) -> (0, 0, 0)>
#map1 = affine_map<(d0, d1) -> (0, 0)>
module attributes {stable_mosaic.version = 14 : i64} {
  func.func @k(%arg0: i32, %arg1: i32, %arg2: memref<32x50x128xi32, #tpu.memory_space<hbm>>, %arg3: memref<100000x128xf32, #tpu.memory_space<hbm>>, %arg4: memref<204800x128xf32, #tpu.memory_space<hbm>>, %arg5: memref<50x128xi32, #tpu.memory_space<vmem>>, %arg6: memref<6x128x128xf32, #tpu.memory_space<vmem>>, %arg7: memref<6x!tpu.dma_semaphore, #tpu.memory_space<semaphore_mem>>, %arg8: memref<6x!tpu.dma_semaphore, #tpu.memory_space<semaphore_mem>>) attributes {dimension_semantics = [#tpu.dimension_semantics<core_parallel>, #tpu.dimension_semantics<subcore_parallel>], iteration_bounds = array<i64: 2, 16>, scalar_prefetch = 0 : i64, scratch_operands = 4 : i64, tpu.core_type = #tpu.core_type<sc_vector_subcore>, window_params = [{transform_indices = #map}, {transform_indices = #map1}, {transform_indices = #map1}]} {
    %mul3A = arith.constant 2 : i32
    %mul3A_0 = arith.muli %arg1, %mul3A : i32
    %add3A = arith.addi %mul3A_0, %arg0 : i32
    %mul3A_1 = arith.constant 6400 : i32
    %mul3A_2 = arith.muli %add3A, %mul3A_1 : i32
    "tpu.region"() ({
      %run_scoped3A = tpu.sem_alloc : memref<!tpu.dma_semaphore, #tpu.memory_space<semaphore_mem>>
      %dma_start3A_203 = arith.constant 0 : i32
      %dma_start3A_204 = arith.constant 0 : i32
      %dma_start3A_205 = tpu.memref_slice %arg2[%add3A, %dma_start3A_203, %dma_start3A_204] : memref<32x50x128xi32, #tpu.memory_space<hbm>> -> memref<1x50x128xi32, #tpu.memory_space<hbm>>
      %dma_start3A_206 = tpu.memref_squeeze %dma_start3A_205 : memref<1x50x128xi32, #tpu.memory_space<hbm>> -> memref<50x128xi32, #tpu.memory_space<hbm>>
      %dma_start3A_207 = arith.constant 0 : i32
      %dma_start3A_208 = arith.constant 0 : i32
      %dma_start3A_209 = tpu.memref_slice %arg2[%add3A, %dma_start3A_207, %dma_start3A_208] : memref<32x50x128xi32, #tpu.memory_space<hbm>> -> memref<1x50x128xi32, #tpu.memory_space<hbm>>
      %dma_start3A_210 = tpu.memref_squeeze %dma_start3A_209 : memref<1x50x128xi32, #tpu.memory_space<hbm>> -> memref<50x128xi32, #tpu.memory_space<hbm>>
      tpu.enqueue_dma source(%dma_start3A_210 : memref<50x128xi32, #tpu.memory_space<hbm>>) target(%arg5 : memref<50x128xi32, #tpu.memory_space<vmem>>) target_semaphore(%run_scoped3A : memref<!tpu.dma_semaphore, #tpu.memory_space<semaphore_mem>>)
      %dma_wait3A_211 = arith.constant 0 : i32
      %dma_wait3A_212 = arith.constant 0 : i32
      %dma_wait3A_213 = tpu.memref_slice %arg2[%add3A, %dma_wait3A_211, %dma_wait3A_212] : memref<32x50x128xi32, #tpu.memory_space<hbm>> -> memref<1x50x128xi32, #tpu.memory_space<hbm>>
      %dma_wait3A_214 = tpu.memref_squeeze %dma_wait3A_213 : memref<1x50x128xi32, #tpu.memory_space<hbm>> -> memref<50x128xi32, #tpu.memory_space<hbm>>
      %dma_wait3A_215 = arith.constant 0 : i32
      %dma_wait3A_216 = arith.constant 0 : i32
      %dma_wait3A_217 = tpu.memref_slice %arg2[%add3A, %dma_wait3A_215, %dma_wait3A_216] : memref<32x50x128xi32, #tpu.memory_space<hbm>> -> memref<1x50x128xi32, #tpu.memory_space<hbm>>
      %dma_wait3A_218 = tpu.memref_squeeze %dma_wait3A_217 : memref<1x50x128xi32, #tpu.memory_space<hbm>> -> memref<50x128xi32, #tpu.memory_space<hbm>>
      tpu.wait_dma2 semaphore(%run_scoped3A : memref<!tpu.dma_semaphore, #tpu.memory_space<semaphore_mem>>) src(%dma_wait3A_218 : memref<50x128xi32, #tpu.memory_space<hbm>>) dst(%arg5 : memref<50x128xi32, #tpu.memory_space<vmem>>)
      tpu.yield
    }) : () -> ()
    %dma_start3A = arith.constant 0 : i32
    %dma_start3A_3 = arith.constant 0 : i32
    %dma_start3A_4 = arith.constant 0 : i32
    %dma_start3A_5 = arith.constant 0 : i32
    %dma_start3A_6 = arith.constant 0 : i32
    %dma_start3A_7 = tpu.memref_slice %arg6[%dma_start3A_3, %dma_start3A_5, %dma_start3A_6] : memref<6x128x128xf32, #tpu.memory_space<vmem>> -> memref<1x128x128xf32, #tpu.memory_space<vmem>>
    %dma_start3A_8 = tpu.memref_squeeze %dma_start3A_7 : memref<1x128x128xf32, #tpu.memory_space<vmem>> -> memref<128x128xf32, #tpu.memory_space<vmem>>
    %dma_start3A_9 = arith.constant 0 : i32
    %dma_start3A_10 = tpu.memref_slice %arg5[%dma_start3A, %dma_start3A_9] : memref<50x128xi32, #tpu.memory_space<vmem>> -> memref<1x128xi32, #tpu.memory_space<vmem>>
    %dma_start3A_11 = tpu.memref_squeeze %dma_start3A_10 : memref<1x128xi32, #tpu.memory_space<vmem>> -> memref<128xi32, #tpu.memory_space<vmem>>
    %dma_start3A_12 = arith.constant 0 : i32
    %dma_start3A_13 = arith.constant 0 : i32
    %dma_start3A_14 = tpu.memref_slice %arg3[%dma_start3A_12, %dma_start3A_13] : memref<100000x128xf32, #tpu.memory_space<hbm>> -> memref<100000x128xf32, #tpu.memory_space<hbm>>
    %dma_start3A_15 = tpu.memref_slice %arg7[%dma_start3A_4] : memref<6x!tpu.dma_semaphore, #tpu.memory_space<semaphore_mem>> -> memref<1x!tpu.dma_semaphore, #tpu.memory_space<semaphore_mem>>
    %dma_start3A_16 = tpu.memref_squeeze %dma_start3A_15 : memref<1x!tpu.dma_semaphore, #tpu.memory_space<semaphore_mem>> -> memref<!tpu.dma_semaphore, #tpu.memory_space<semaphore_mem>>
    tpu.enqueue_indirect_dma source(%dma_start3A_14 : memref<100000x128xf32, #tpu.memory_space<hbm>>) target(%dma_start3A_8 : memref<128x128xf32, #tpu.memory_space<vmem>>) offsets(%dma_start3A_11 : memref<128xi32, #tpu.memory_space<vmem>>) semaphore(%dma_start3A_16 : memref<!tpu.dma_semaphore, #tpu.memory_space<semaphore_mem>>)
    %dma_start3A_17 = arith.constant 1 : i32
    %dma_start3A_18 = arith.constant 1 : i32
    %dma_start3A_19 = arith.constant 1 : i32
    %dma_start3A_20 = arith.constant 0 : i32
    %dma_start3A_21 = arith.constant 0 : i32
    %dma_start3A_22 = tpu.memref_slice %arg6[%dma_start3A_18, %dma_start3A_20, %dma_start3A_21] : memref<6x128x128xf32, #tpu.memory_space<vmem>> -> memref<1x128x128xf32, #tpu.memory_space<vmem>>
    %dma_start3A_23 = tpu.memref_squeeze %dma_start3A_22 : memref<1x128x128xf32, #tpu.memory_space<vmem>> -> memref<128x128xf32, #tpu.memory_space<vmem>>
    %dma_start3A_24 = arith.constant 0 : i32
    %dma_start3A_25 = tpu.memref_slice %arg5[%dma_start3A_17, %dma_start3A_24] : memref<50x128xi32, #tpu.memory_space<vmem>> -> memref<1x128xi32, #tpu.memory_space<vmem>>
    %dma_start3A_26 = tpu.memref_squeeze %dma_start3A_25 : memref<1x128xi32, #tpu.memory_space<vmem>> -> memref<128xi32, #tpu.memory_space<vmem>>
    %dma_start3A_27 = arith.constant 0 : i32
    %dma_start3A_28 = arith.constant 0 : i32
    %dma_start3A_29 = tpu.memref_slice %arg3[%dma_start3A_27, %dma_start3A_28] : memref<100000x128xf32, #tpu.memory_space<hbm>> -> memref<100000x128xf32, #tpu.memory_space<hbm>>
    %dma_start3A_30 = tpu.memref_slice %arg7[%dma_start3A_19] : memref<6x!tpu.dma_semaphore, #tpu.memory_space<semaphore_mem>> -> memref<1x!tpu.dma_semaphore, #tpu.memory_space<semaphore_mem>>
    %dma_start3A_31 = tpu.memref_squeeze %dma_start3A_30 : memref<1x!tpu.dma_semaphore, #tpu.memory_space<semaphore_mem>> -> memref<!tpu.dma_semaphore, #tpu.memory_space<semaphore_mem>>
    tpu.enqueue_indirect_dma source(%dma_start3A_29 : memref<100000x128xf32, #tpu.memory_space<hbm>>) target(%dma_start3A_23 : memref<128x128xf32, #tpu.memory_space<vmem>>) offsets(%dma_start3A_26 : memref<128xi32, #tpu.memory_space<vmem>>) semaphore(%dma_start3A_31 : memref<!tpu.dma_semaphore, #tpu.memory_space<semaphore_mem>>)
    %dma_start3A_32 = arith.constant 2 : i32
    %dma_start3A_33 = arith.constant 2 : i32
    %dma_start3A_34 = arith.constant 2 : i32
    %dma_start3A_35 = arith.constant 0 : i32
    %dma_start3A_36 = arith.constant 0 : i32
    %dma_start3A_37 = tpu.memref_slice %arg6[%dma_start3A_33, %dma_start3A_35, %dma_start3A_36] : memref<6x128x128xf32, #tpu.memory_space<vmem>> -> memref<1x128x128xf32, #tpu.memory_space<vmem>>
    %dma_start3A_38 = tpu.memref_squeeze %dma_start3A_37 : memref<1x128x128xf32, #tpu.memory_space<vmem>> -> memref<128x128xf32, #tpu.memory_space<vmem>>
    %dma_start3A_39 = arith.constant 0 : i32
    %dma_start3A_40 = tpu.memref_slice %arg5[%dma_start3A_32, %dma_start3A_39] : memref<50x128xi32, #tpu.memory_space<vmem>> -> memref<1x128xi32, #tpu.memory_space<vmem>>
    %dma_start3A_41 = tpu.memref_squeeze %dma_start3A_40 : memref<1x128xi32, #tpu.memory_space<vmem>> -> memref<128xi32, #tpu.memory_space<vmem>>
    %dma_start3A_42 = arith.constant 0 : i32
    %dma_start3A_43 = arith.constant 0 : i32
    %dma_start3A_44 = tpu.memref_slice %arg3[%dma_start3A_42, %dma_start3A_43] : memref<100000x128xf32, #tpu.memory_space<hbm>> -> memref<100000x128xf32, #tpu.memory_space<hbm>>
    %dma_start3A_45 = tpu.memref_slice %arg7[%dma_start3A_34] : memref<6x!tpu.dma_semaphore, #tpu.memory_space<semaphore_mem>> -> memref<1x!tpu.dma_semaphore, #tpu.memory_space<semaphore_mem>>
    %dma_start3A_46 = tpu.memref_squeeze %dma_start3A_45 : memref<1x!tpu.dma_semaphore, #tpu.memory_space<semaphore_mem>> -> memref<!tpu.dma_semaphore, #tpu.memory_space<semaphore_mem>>
    tpu.enqueue_indirect_dma source(%dma_start3A_44 : memref<100000x128xf32, #tpu.memory_space<hbm>>) target(%dma_start3A_38 : memref<128x128xf32, #tpu.memory_space<vmem>>) offsets(%dma_start3A_41 : memref<128xi32, #tpu.memory_space<vmem>>) semaphore(%dma_start3A_46 : memref<!tpu.dma_semaphore, #tpu.memory_space<semaphore_mem>>)
    %dma_start3A_47 = arith.constant 3 : i32
    %dma_start3A_48 = arith.constant 3 : i32
    %dma_start3A_49 = arith.constant 3 : i32
    %dma_start3A_50 = arith.constant 0 : i32
    %dma_start3A_51 = arith.constant 0 : i32
    %dma_start3A_52 = tpu.memref_slice %arg6[%dma_start3A_48, %dma_start3A_50, %dma_start3A_51] : memref<6x128x128xf32, #tpu.memory_space<vmem>> -> memref<1x128x128xf32, #tpu.memory_space<vmem>>
    %dma_start3A_53 = tpu.memref_squeeze %dma_start3A_52 : memref<1x128x128xf32, #tpu.memory_space<vmem>> -> memref<128x128xf32, #tpu.memory_space<vmem>>
    %dma_start3A_54 = arith.constant 0 : i32
    %dma_start3A_55 = tpu.memref_slice %arg5[%dma_start3A_47, %dma_start3A_54] : memref<50x128xi32, #tpu.memory_space<vmem>> -> memref<1x128xi32, #tpu.memory_space<vmem>>
    %dma_start3A_56 = tpu.memref_squeeze %dma_start3A_55 : memref<1x128xi32, #tpu.memory_space<vmem>> -> memref<128xi32, #tpu.memory_space<vmem>>
    %dma_start3A_57 = arith.constant 0 : i32
    %dma_start3A_58 = arith.constant 0 : i32
    %dma_start3A_59 = tpu.memref_slice %arg3[%dma_start3A_57, %dma_start3A_58] : memref<100000x128xf32, #tpu.memory_space<hbm>> -> memref<100000x128xf32, #tpu.memory_space<hbm>>
    %dma_start3A_60 = tpu.memref_slice %arg7[%dma_start3A_49] : memref<6x!tpu.dma_semaphore, #tpu.memory_space<semaphore_mem>> -> memref<1x!tpu.dma_semaphore, #tpu.memory_space<semaphore_mem>>
    %dma_start3A_61 = tpu.memref_squeeze %dma_start3A_60 : memref<1x!tpu.dma_semaphore, #tpu.memory_space<semaphore_mem>> -> memref<!tpu.dma_semaphore, #tpu.memory_space<semaphore_mem>>
    tpu.enqueue_indirect_dma source(%dma_start3A_59 : memref<100000x128xf32, #tpu.memory_space<hbm>>) target(%dma_start3A_53 : memref<128x128xf32, #tpu.memory_space<vmem>>) offsets(%dma_start3A_56 : memref<128xi32, #tpu.memory_space<vmem>>) semaphore(%dma_start3A_61 : memref<!tpu.dma_semaphore, #tpu.memory_space<semaphore_mem>>)
    %dma_start3A_62 = arith.constant 4 : i32
    %dma_start3A_63 = arith.constant 4 : i32
    %dma_start3A_64 = arith.constant 4 : i32
    %dma_start3A_65 = arith.constant 0 : i32
    %dma_start3A_66 = arith.constant 0 : i32
    %dma_start3A_67 = tpu.memref_slice %arg6[%dma_start3A_63, %dma_start3A_65, %dma_start3A_66] : memref<6x128x128xf32, #tpu.memory_space<vmem>> -> memref<1x128x128xf32, #tpu.memory_space<vmem>>
    %dma_start3A_68 = tpu.memref_squeeze %dma_start3A_67 : memref<1x128x128xf32, #tpu.memory_space<vmem>> -> memref<128x128xf32, #tpu.memory_space<vmem>>
    %dma_start3A_69 = arith.constant 0 : i32
    %dma_start3A_70 = tpu.memref_slice %arg5[%dma_start3A_62, %dma_start3A_69] : memref<50x128xi32, #tpu.memory_space<vmem>> -> memref<1x128xi32, #tpu.memory_space<vmem>>
    %dma_start3A_71 = tpu.memref_squeeze %dma_start3A_70 : memref<1x128xi32, #tpu.memory_space<vmem>> -> memref<128xi32, #tpu.memory_space<vmem>>
    %dma_start3A_72 = arith.constant 0 : i32
    %dma_start3A_73 = arith.constant 0 : i32
    %dma_start3A_74 = tpu.memref_slice %arg3[%dma_start3A_72, %dma_start3A_73] : memref<100000x128xf32, #tpu.memory_space<hbm>> -> memref<100000x128xf32, #tpu.memory_space<hbm>>
    %dma_start3A_75 = tpu.memref_slice %arg7[%dma_start3A_64] : memref<6x!tpu.dma_semaphore, #tpu.memory_space<semaphore_mem>> -> memref<1x!tpu.dma_semaphore, #tpu.memory_space<semaphore_mem>>
    %dma_start3A_76 = tpu.memref_squeeze %dma_start3A_75 : memref<1x!tpu.dma_semaphore, #tpu.memory_space<semaphore_mem>> -> memref<!tpu.dma_semaphore, #tpu.memory_space<semaphore_mem>>
    tpu.enqueue_indirect_dma source(%dma_start3A_74 : memref<100000x128xf32, #tpu.memory_space<hbm>>) target(%dma_start3A_68 : memref<128x128xf32, #tpu.memory_space<vmem>>) offsets(%dma_start3A_71 : memref<128xi32, #tpu.memory_space<vmem>>) semaphore(%dma_start3A_76 : memref<!tpu.dma_semaphore, #tpu.memory_space<semaphore_mem>>)
    %dma_start3A_77 = arith.constant 5 : i32
    %dma_start3A_78 = arith.constant 5 : i32
    %dma_start3A_79 = arith.constant 5 : i32
    %dma_start3A_80 = arith.constant 0 : i32
    %dma_start3A_81 = arith.constant 0 : i32
    %dma_start3A_82 = tpu.memref_slice %arg6[%dma_start3A_78, %dma_start3A_80, %dma_start3A_81] : memref<6x128x128xf32, #tpu.memory_space<vmem>> -> memref<1x128x128xf32, #tpu.memory_space<vmem>>
    %dma_start3A_83 = tpu.memref_squeeze %dma_start3A_82 : memref<1x128x128xf32, #tpu.memory_space<vmem>> -> memref<128x128xf32, #tpu.memory_space<vmem>>
    %dma_start3A_84 = arith.constant 0 : i32
    %dma_start3A_85 = tpu.memref_slice %arg5[%dma_start3A_77, %dma_start3A_84] : memref<50x128xi32, #tpu.memory_space<vmem>> -> memref<1x128xi32, #tpu.memory_space<vmem>>
    %dma_start3A_86 = tpu.memref_squeeze %dma_start3A_85 : memref<1x128xi32, #tpu.memory_space<vmem>> -> memref<128xi32, #tpu.memory_space<vmem>>
    %dma_start3A_87 = arith.constant 0 : i32
    %dma_start3A_88 = arith.constant 0 : i32
    %dma_start3A_89 = tpu.memref_slice %arg3[%dma_start3A_87, %dma_start3A_88] : memref<100000x128xf32, #tpu.memory_space<hbm>> -> memref<100000x128xf32, #tpu.memory_space<hbm>>
    %dma_start3A_90 = tpu.memref_slice %arg7[%dma_start3A_79] : memref<6x!tpu.dma_semaphore, #tpu.memory_space<semaphore_mem>> -> memref<1x!tpu.dma_semaphore, #tpu.memory_space<semaphore_mem>>
    %dma_start3A_91 = tpu.memref_squeeze %dma_start3A_90 : memref<1x!tpu.dma_semaphore, #tpu.memory_space<semaphore_mem>> -> memref<!tpu.dma_semaphore, #tpu.memory_space<semaphore_mem>>
    tpu.enqueue_indirect_dma source(%dma_start3A_89 : memref<100000x128xf32, #tpu.memory_space<hbm>>) target(%dma_start3A_83 : memref<128x128xf32, #tpu.memory_space<vmem>>) offsets(%dma_start3A_86 : memref<128xi32, #tpu.memory_space<vmem>>) semaphore(%dma_start3A_91 : memref<!tpu.dma_semaphore, #tpu.memory_space<semaphore_mem>>)
    %scan3A = arith.constant 0 : i32
    %scan3A_92 = arith.constant 50 : i32
    %scan3A_93 = arith.addi %scan3A, %scan3A_92 : i32
    %scan3A_94 = arith.constant 1 : i32
    scf.for %scan3A_203 = %scan3A to %scan3A_93 step %scan3A_94  : i32 {
      %rem3A = arith.constant 6 : i32
      %rem3A_204 = arith.remsi %scan3A_203, %rem3A : i32
      %dma_wait3A_205 = arith.constant 0 : i32
      %dma_wait3A_206 = arith.constant 0 : i32
      %dma_wait3A_207 = tpu.memref_slice %arg6[%rem3A_204, %dma_wait3A_205, %dma_wait3A_206] : memref<6x128x128xf32, #tpu.memory_space<vmem>> -> memref<1x128x128xf32, #tpu.memory_space<vmem>>
      %dma_wait3A_208 = tpu.memref_squeeze %dma_wait3A_207 : memref<1x128x128xf32, #tpu.memory_space<vmem>> -> memref<128x128xf32, #tpu.memory_space<vmem>>
      %dma_wait3A_209 = arith.constant 0 : i32
      %dma_wait3A_210 = tpu.memref_slice %arg5[%scan3A_203, %dma_wait3A_209] : memref<50x128xi32, #tpu.memory_space<vmem>> -> memref<1x128xi32, #tpu.memory_space<vmem>>
      %dma_wait3A_211 = tpu.memref_squeeze %dma_wait3A_210 : memref<1x128xi32, #tpu.memory_space<vmem>> -> memref<128xi32, #tpu.memory_space<vmem>>
      %dma_wait3A_212 = arith.constant 0 : i32
      %dma_wait3A_213 = arith.constant 0 : i32
      %dma_wait3A_214 = tpu.memref_slice %arg3[%dma_wait3A_212, %dma_wait3A_213] : memref<100000x128xf32, #tpu.memory_space<hbm>> -> memref<100000x128xf32, #tpu.memory_space<hbm>>
      %dma_wait3A_215 = tpu.memref_slice %arg7[%rem3A_204] : memref<6x!tpu.dma_semaphore, #tpu.memory_space<semaphore_mem>> -> memref<1x!tpu.dma_semaphore, #tpu.memory_space<semaphore_mem>>
      %dma_wait3A_216 = tpu.memref_squeeze %dma_wait3A_215 : memref<1x!tpu.dma_semaphore, #tpu.memory_space<semaphore_mem>> -> memref<!tpu.dma_semaphore, #tpu.memory_space<semaphore_mem>>
      tpu.wait_indirect_dma semaphore(%dma_wait3A_216 : memref<!tpu.dma_semaphore, #tpu.memory_space<semaphore_mem>>) src(%dma_wait3A_214 : memref<100000x128xf32, #tpu.memory_space<hbm>>) dst(%dma_wait3A_208 : memref<128x128xf32, #tpu.memory_space<vmem>>)
      %mul3A_217 = arith.constant 128 : i32
      %mul3A_218 = arith.muli %scan3A_203, %mul3A_217 : i32
      %add3A_219 = arith.addi %mul3A_2, %mul3A_218 : i32
      %dma_start3A_220 = arith.constant 0 : i32
      %dma_start3A_221 = arith.constant 0 : i32
      %dma_start3A_222 = tpu.memref_slice %arg6[%rem3A_204, %dma_start3A_220, %dma_start3A_221] : memref<6x128x128xf32, #tpu.memory_space<vmem>> -> memref<1x128x128xf32, #tpu.memory_space<vmem>>
      %dma_start3A_223 = tpu.memref_squeeze %dma_start3A_222 : memref<1x128x128xf32, #tpu.memory_space<vmem>> -> memref<128x128xf32, #tpu.memory_space<vmem>>
      %dma_start3A_224 = arith.constant 0 : i32
      %dma_start3A_225 = tpu.memref_slice %arg4[%add3A_219, %dma_start3A_224] : memref<204800x128xf32, #tpu.memory_space<hbm>> -> memref<128x128xf32, #tpu.memory_space<hbm>>
      %dma_start3A_226 = tpu.memref_slice %arg8[%rem3A_204] : memref<6x!tpu.dma_semaphore, #tpu.memory_space<semaphore_mem>> -> memref<1x!tpu.dma_semaphore, #tpu.memory_space<semaphore_mem>>
      %dma_start3A_227 = tpu.memref_squeeze %dma_start3A_226 : memref<1x!tpu.dma_semaphore, #tpu.memory_space<semaphore_mem>> -> memref<!tpu.dma_semaphore, #tpu.memory_space<semaphore_mem>>
      %dma_start3A_228 = arith.constant 0 : i32
      %dma_start3A_229 = tpu.memref_slice %arg4[%add3A_219, %dma_start3A_228] : memref<204800x128xf32, #tpu.memory_space<hbm>> -> memref<128x128xf32, #tpu.memory_space<hbm>>
      %dma_start3A_230 = arith.constant 0 : i32
      %dma_start3A_231 = arith.constant 0 : i32
      %dma_start3A_232 = tpu.memref_slice %arg6[%rem3A_204, %dma_start3A_230, %dma_start3A_231] : memref<6x128x128xf32, #tpu.memory_space<vmem>> -> memref<1x128x128xf32, #tpu.memory_space<vmem>>
      %dma_start3A_233 = tpu.memref_squeeze %dma_start3A_232 : memref<1x128x128xf32, #tpu.memory_space<vmem>> -> memref<128x128xf32, #tpu.memory_space<vmem>>
      tpu.enqueue_dma source(%dma_start3A_233 : memref<128x128xf32, #tpu.memory_space<vmem>>) target(%dma_start3A_229 : memref<128x128xf32, #tpu.memory_space<hbm>>) target_semaphore(%dma_start3A_227 : memref<!tpu.dma_semaphore, #tpu.memory_space<semaphore_mem>>)
      %ge3A = arith.constant 3 : i32
      %ge3A_234 = arith.cmpi sge, %scan3A_203, %ge3A : i32
      %lt3A = arith.constant 47 : i32
      %lt3A_235 = arith.cmpi slt, %scan3A_203, %lt3A : i32
      %and3A = arith.andi %ge3A_234, %lt3A_235 : i1
      %convert_element_type3A = arith.extui %and3A : i1 to i32
      %cond3A = arith.constant 0 : i32
      %cond3A_236 = arith.cmpi ne, %convert_element_type3A, %cond3A : i32
      scf.if %cond3A_236 {
        %sub3A = arith.constant 3 : i32
        %sub3A_237 = arith.subi %scan3A_203, %sub3A : i32
        %rem3A_238 = arith.constant 6 : i32
        %rem3A_239 = arith.remsi %sub3A_237, %rem3A_238 : i32
        %mul3A_240 = arith.constant 128 : i32
        %mul3A_241 = arith.muli %sub3A_237, %mul3A_240 : i32
        %add3A_242 = arith.addi %mul3A_2, %mul3A_241 : i32
        %dma_wait3A_243 = arith.constant 0 : i32
        %dma_wait3A_244 = arith.constant 0 : i32
        %dma_wait3A_245 = tpu.memref_slice %arg6[%rem3A_239, %dma_wait3A_243, %dma_wait3A_244] : memref<6x128x128xf32, #tpu.memory_space<vmem>> -> memref<1x128x128xf32, #tpu.memory_space<vmem>>
        %dma_wait3A_246 = tpu.memref_squeeze %dma_wait3A_245 : memref<1x128x128xf32, #tpu.memory_space<vmem>> -> memref<128x128xf32, #tpu.memory_space<vmem>>
        %dma_wait3A_247 = arith.constant 0 : i32
        %dma_wait3A_248 = tpu.memref_slice %arg4[%add3A_242, %dma_wait3A_247] : memref<204800x128xf32, #tpu.memory_space<hbm>> -> memref<128x128xf32, #tpu.memory_space<hbm>>
        %dma_wait3A_249 = tpu.memref_slice %arg8[%rem3A_239] : memref<6x!tpu.dma_semaphore, #tpu.memory_space<semaphore_mem>> -> memref<1x!tpu.dma_semaphore, #tpu.memory_space<semaphore_mem>>
        %dma_wait3A_250 = tpu.memref_squeeze %dma_wait3A_249 : memref<1x!tpu.dma_semaphore, #tpu.memory_space<semaphore_mem>> -> memref<!tpu.dma_semaphore, #tpu.memory_space<semaphore_mem>>
        %dma_wait3A_251 = arith.constant 0 : i32
        %dma_wait3A_252 = tpu.memref_slice %arg4[%add3A_242, %dma_wait3A_251] : memref<204800x128xf32, #tpu.memory_space<hbm>> -> memref<128x128xf32, #tpu.memory_space<hbm>>
        %dma_wait3A_253 = arith.constant 0 : i32
        %dma_wait3A_254 = arith.constant 0 : i32
        %dma_wait3A_255 = tpu.memref_slice %arg6[%rem3A_239, %dma_wait3A_253, %dma_wait3A_254] : memref<6x128x128xf32, #tpu.memory_space<vmem>> -> memref<1x128x128xf32, #tpu.memory_space<vmem>>
        %dma_wait3A_256 = tpu.memref_squeeze %dma_wait3A_255 : memref<1x128x128xf32, #tpu.memory_space<vmem>> -> memref<128x128xf32, #tpu.memory_space<vmem>>
        tpu.wait_dma2 semaphore(%dma_wait3A_250 : memref<!tpu.dma_semaphore, #tpu.memory_space<semaphore_mem>>) src(%dma_wait3A_256 : memref<128x128xf32, #tpu.memory_space<vmem>>) dst(%dma_wait3A_252 : memref<128x128xf32, #tpu.memory_space<hbm>>)
        %add3A_257 = arith.constant 6 : i32
        %add3A_258 = arith.addi %sub3A_237, %add3A_257 : i32
        %dma_start3A_259 = arith.constant 0 : i32
        %dma_start3A_260 = arith.constant 0 : i32
        %dma_start3A_261 = tpu.memref_slice %arg6[%rem3A_239, %dma_start3A_259, %dma_start3A_260] : memref<6x128x128xf32, #tpu.memory_space<vmem>> -> memref<1x128x128xf32, #tpu.memory_space<vmem>>
        %dma_start3A_262 = tpu.memref_squeeze %dma_start3A_261 : memref<1x128x128xf32, #tpu.memory_space<vmem>> -> memref<128x128xf32, #tpu.memory_space<vmem>>
        %dma_start3A_263 = arith.constant 0 : i32
        %dma_start3A_264 = tpu.memref_slice %arg5[%add3A_258, %dma_start3A_263] : memref<50x128xi32, #tpu.memory_space<vmem>> -> memref<1x128xi32, #tpu.memory_space<vmem>>
        %dma_start3A_265 = tpu.memref_squeeze %dma_start3A_264 : memref<1x128xi32, #tpu.memory_space<vmem>> -> memref<128xi32, #tpu.memory_space<vmem>>
        %dma_start3A_266 = arith.constant 0 : i32
        %dma_start3A_267 = arith.constant 0 : i32
        %dma_start3A_268 = tpu.memref_slice %arg3[%dma_start3A_266, %dma_start3A_267] : memref<100000x128xf32, #tpu.memory_space<hbm>> -> memref<100000x128xf32, #tpu.memory_space<hbm>>
        %dma_start3A_269 = tpu.memref_slice %arg7[%rem3A_239] : memref<6x!tpu.dma_semaphore, #tpu.memory_space<semaphore_mem>> -> memref<1x!tpu.dma_semaphore, #tpu.memory_space<semaphore_mem>>
        %dma_start3A_270 = tpu.memref_squeeze %dma_start3A_269 : memref<1x!tpu.dma_semaphore, #tpu.memory_space<semaphore_mem>> -> memref<!tpu.dma_semaphore, #tpu.memory_space<semaphore_mem>>
        tpu.enqueue_indirect_dma source(%dma_start3A_268 : memref<100000x128xf32, #tpu.memory_space<hbm>>) target(%dma_start3A_262 : memref<128x128xf32, #tpu.memory_space<vmem>>) offsets(%dma_start3A_265 : memref<128xi32, #tpu.memory_space<vmem>>) semaphore(%dma_start3A_270 : memref<!tpu.dma_semaphore, #tpu.memory_space<semaphore_mem>>)
      } else {
      }
    }
    %scan3A_95 = arith.constant 50 : i32
    %add3A_96 = arith.constant 5632 : i32
    %add3A_97 = arith.addi %mul3A_2, %add3A_96 : i32
    %dma_wait3A = arith.constant 2 : i32
    %dma_wait3A_98 = arith.constant 2 : i32
    %dma_wait3A_99 = arith.constant 0 : i32
    %dma_wait3A_100 = arith.constant 0 : i32
    %dma_wait3A_101 = tpu.memref_slice %arg6[%dma_wait3A, %dma_wait3A_99, %dma_wait3A_100] : memref<6x128x128xf32, #tpu.memory_space<vmem>> -> memref<1x128x128xf32, #tpu.memory_space<vmem>>
    %dma_wait3A_102 = tpu.memref_squeeze %dma_wait3A_101 : memref<1x128x128xf32, #tpu.memory_space<vmem>> -> memref<128x128xf32, #tpu.memory_space<vmem>>
    %dma_wait3A_103 = arith.constant 0 : i32
    %dma_wait3A_104 = tpu.memref_slice %arg4[%add3A_97, %dma_wait3A_103] : memref<204800x128xf32, #tpu.memory_space<hbm>> -> memref<128x128xf32, #tpu.memory_space<hbm>>
    %dma_wait3A_105 = tpu.memref_slice %arg8[%dma_wait3A_98] : memref<6x!tpu.dma_semaphore, #tpu.memory_space<semaphore_mem>> -> memref<1x!tpu.dma_semaphore, #tpu.memory_space<semaphore_mem>>
    %dma_wait3A_106 = tpu.memref_squeeze %dma_wait3A_105 : memref<1x!tpu.dma_semaphore, #tpu.memory_space<semaphore_mem>> -> memref<!tpu.dma_semaphore, #tpu.memory_space<semaphore_mem>>
    %dma_wait3A_107 = arith.constant 0 : i32
    %dma_wait3A_108 = tpu.memref_slice %arg4[%add3A_97, %dma_wait3A_107] : memref<204800x128xf32, #tpu.memory_space<hbm>> -> memref<128x128xf32, #tpu.memory_space<hbm>>
    %dma_wait3A_109 = arith.constant 0 : i32
    %dma_wait3A_110 = arith.constant 0 : i32
    %dma_wait3A_111 = tpu.memref_slice %arg6[%dma_wait3A, %dma_wait3A_109, %dma_wait3A_110] : memref<6x128x128xf32, #tpu.memory_space<vmem>> -> memref<1x128x128xf32, #tpu.memory_space<vmem>>
    %dma_wait3A_112 = tpu.memref_squeeze %dma_wait3A_111 : memref<1x128x128xf32, #tpu.memory_space<vmem>> -> memref<128x128xf32, #tpu.memory_space<vmem>>
    tpu.wait_dma2 semaphore(%dma_wait3A_106 : memref<!tpu.dma_semaphore, #tpu.memory_space<semaphore_mem>>) src(%dma_wait3A_112 : memref<128x128xf32, #tpu.memory_space<vmem>>) dst(%dma_wait3A_108 : memref<128x128xf32, #tpu.memory_space<hbm>>)
    %add3A_113 = arith.constant 5760 : i32
    %add3A_114 = arith.addi %mul3A_2, %add3A_113 : i32
    %dma_wait3A_115 = arith.constant 3 : i32
    %dma_wait3A_116 = arith.constant 3 : i32
    %dma_wait3A_117 = arith.constant 0 : i32
    %dma_wait3A_118 = arith.constant 0 : i32
    %dma_wait3A_119 = tpu.memref_slice %arg6[%dma_wait3A_115, %dma_wait3A_117, %dma_wait3A_118] : memref<6x128x128xf32, #tpu.memory_space<vmem>> -> memref<1x128x128xf32, #tpu.memory_space<vmem>>
    %dma_wait3A_120 = tpu.memref_squeeze %dma_wait3A_119 : memref<1x128x128xf32, #tpu.memory_space<vmem>> -> memref<128x128xf32, #tpu.memory_space<vmem>>
    %dma_wait3A_121 = arith.constant 0 : i32
    %dma_wait3A_122 = tpu.memref_slice %arg4[%add3A_114, %dma_wait3A_121] : memref<204800x128xf32, #tpu.memory_space<hbm>> -> memref<128x128xf32, #tpu.memory_space<hbm>>
    %dma_wait3A_123 = tpu.memref_slice %arg8[%dma_wait3A_116] : memref<6x!tpu.dma_semaphore, #tpu.memory_space<semaphore_mem>> -> memref<1x!tpu.dma_semaphore, #tpu.memory_space<semaphore_mem>>
    %dma_wait3A_124 = tpu.memref_squeeze %dma_wait3A_123 : memref<1x!tpu.dma_semaphore, #tpu.memory_space<semaphore_mem>> -> memref<!tpu.dma_semaphore, #tpu.memory_space<semaphore_mem>>
    %dma_wait3A_125 = arith.constant 0 : i32
    %dma_wait3A_126 = tpu.memref_slice %arg4[%add3A_114, %dma_wait3A_125] : memref<204800x128xf32, #tpu.memory_space<hbm>> -> memref<128x128xf32, #tpu.memory_space<hbm>>
    %dma_wait3A_127 = arith.constant 0 : i32
    %dma_wait3A_128 = arith.constant 0 : i32
    %dma_wait3A_129 = tpu.memref_slice %arg6[%dma_wait3A_115, %dma_wait3A_127, %dma_wait3A_128] : memref<6x128x128xf32, #tpu.memory_space<vmem>> -> memref<1x128x128xf32, #tpu.memory_space<vmem>>
    %dma_wait3A_130 = tpu.memref_squeeze %dma_wait3A_129 : memref<1x128x128xf32, #tpu.memory_space<vmem>> -> memref<128x128xf32, #tpu.memory_space<vmem>>
    tpu.wait_dma2 semaphore(%dma_wait3A_124 : memref<!tpu.dma_semaphore, #tpu.memory_space<semaphore_mem>>) src(%dma_wait3A_130 : memref<128x128xf32, #tpu.memory_space<vmem>>) dst(%dma_wait3A_126 : memref<128x128xf32, #tpu.memory_space<hbm>>)
    %add3A_131 = arith.constant 5888 : i32
    %add3A_132 = arith.addi %mul3A_2, %add3A_131 : i32
    %dma_wait3A_133 = arith.constant 4 : i32
    %dma_wait3A_134 = arith.constant 4 : i32
    %dma_wait3A_135 = arith.constant 0 : i32
    %dma_wait3A_136 = arith.constant 0 : i32
    %dma_wait3A_137 = tpu.memref_slice %arg6[%dma_wait3A_133, %dma_wait3A_135, %dma_wait3A_136] : memref<6x128x128xf32, #tpu.memory_space<vmem>> -> memref<1x128x128xf32, #tpu.memory_space<vmem>>
    %dma_wait3A_138 = tpu.memref_squeeze %dma_wait3A_137 : memref<1x128x128xf32, #tpu.memory_space<vmem>> -> memref<128x128xf32, #tpu.memory_space<vmem>>
    %dma_wait3A_139 = arith.constant 0 : i32
    %dma_wait3A_140 = tpu.memref_slice %arg4[%add3A_132, %dma_wait3A_139] : memref<204800x128xf32, #tpu.memory_space<hbm>> -> memref<128x128xf32, #tpu.memory_space<hbm>>
    %dma_wait3A_141 = tpu.memref_slice %arg8[%dma_wait3A_134] : memref<6x!tpu.dma_semaphore, #tpu.memory_space<semaphore_mem>> -> memref<1x!tpu.dma_semaphore, #tpu.memory_space<semaphore_mem>>
    %dma_wait3A_142 = tpu.memref_squeeze %dma_wait3A_141 : memref<1x!tpu.dma_semaphore, #tpu.memory_space<semaphore_mem>> -> memref<!tpu.dma_semaphore, #tpu.memory_space<semaphore_mem>>
    %dma_wait3A_143 = arith.constant 0 : i32
    %dma_wait3A_144 = tpu.memref_slice %arg4[%add3A_132, %dma_wait3A_143] : memref<204800x128xf32, #tpu.memory_space<hbm>> -> memref<128x128xf32, #tpu.memory_space<hbm>>
    %dma_wait3A_145 = arith.constant 0 : i32
    %dma_wait3A_146 = arith.constant 0 : i32
    %dma_wait3A_147 = tpu.memref_slice %arg6[%dma_wait3A_133, %dma_wait3A_145, %dma_wait3A_146] : memref<6x128x128xf32, #tpu.memory_space<vmem>> -> memref<1x128x128xf32, #tpu.memory_space<vmem>>
    %dma_wait3A_148 = tpu.memref_squeeze %dma_wait3A_147 : memref<1x128x128xf32, #tpu.memory_space<vmem>> -> memref<128x128xf32, #tpu.memory_space<vmem>>
    tpu.wait_dma2 semaphore(%dma_wait3A_142 : memref<!tpu.dma_semaphore, #tpu.memory_space<semaphore_mem>>) src(%dma_wait3A_148 : memref<128x128xf32, #tpu.memory_space<vmem>>) dst(%dma_wait3A_144 : memref<128x128xf32, #tpu.memory_space<hbm>>)
    %add3A_149 = arith.constant 6016 : i32
    %add3A_150 = arith.addi %mul3A_2, %add3A_149 : i32
    %dma_wait3A_151 = arith.constant 5 : i32
    %dma_wait3A_152 = arith.constant 5 : i32
    %dma_wait3A_153 = arith.constant 0 : i32
    %dma_wait3A_154 = arith.constant 0 : i32
    %dma_wait3A_155 = tpu.memref_slice %arg6[%dma_wait3A_151, %dma_wait3A_153, %dma_wait3A_154] : memref<6x128x128xf32, #tpu.memory_space<vmem>> -> memref<1x128x128xf32, #tpu.memory_space<vmem>>
    %dma_wait3A_156 = tpu.memref_squeeze %dma_wait3A_155 : memref<1x128x128xf32, #tpu.memory_space<vmem>> -> memref<128x128xf32, #tpu.memory_space<vmem>>
    %dma_wait3A_157 = arith.constant 0 : i32
    %dma_wait3A_158 = tpu.memref_slice %arg4[%add3A_150, %dma_wait3A_157] : memref<204800x128xf32, #tpu.memory_space<hbm>> -> memref<128x128xf32, #tpu.memory_space<hbm>>
    %dma_wait3A_159 = tpu.memref_slice %arg8[%dma_wait3A_152] : memref<6x!tpu.dma_semaphore, #tpu.memory_space<semaphore_mem>> -> memref<1x!tpu.dma_semaphore, #tpu.memory_space<semaphore_mem>>
    %dma_wait3A_160 = tpu.memref_squeeze %dma_wait3A_159 : memref<1x!tpu.dma_semaphore, #tpu.memory_space<semaphore_mem>> -> memref<!tpu.dma_semaphore, #tpu.memory_space<semaphore_mem>>
    %dma_wait3A_161 = arith.constant 0 : i32
    %dma_wait3A_162 = tpu.memref_slice %arg4[%add3A_150, %dma_wait3A_161] : memref<204800x128xf32, #tpu.memory_space<hbm>> -> memref<128x128xf32, #tpu.memory_space<hbm>>
    %dma_wait3A_163 = arith.constant 0 : i32
    %dma_wait3A_164 = arith.constant 0 : i32
    %dma_wait3A_165 = tpu.memref_slice %arg6[%dma_wait3A_151, %dma_wait3A_163, %dma_wait3A_164] : memref<6x128x128xf32, #tpu.memory_space<vmem>> -> memref<1x128x128xf32, #tpu.memory_space<vmem>>
    %dma_wait3A_166 = tpu.memref_squeeze %dma_wait3A_165 : memref<1x128x128xf32, #tpu.memory_space<vmem>> -> memref<128x128xf32, #tpu.memory_space<vmem>>
    tpu.wait_dma2 semaphore(%dma_wait3A_160 : memref<!tpu.dma_semaphore, #tpu.memory_space<semaphore_mem>>) src(%dma_wait3A_166 : memref<128x128xf32, #tpu.memory_space<vmem>>) dst(%dma_wait3A_162 : memref<128x128xf32, #tpu.memory_space<hbm>>)
    %add3A_167 = arith.constant 6144 : i32
    %add3A_168 = arith.addi %mul3A_2, %add3A_167 : i32
    %dma_wait3A_169 = arith.constant 0 : i32
    %dma_wait3A_170 = arith.constant 0 : i32
    %dma_wait3A_171 = arith.constant 0 : i32
    %dma_wait3A_172 = arith.constant 0 : i32
    %dma_wait3A_173 = tpu.memref_slice %arg6[%dma_wait3A_169, %dma_wait3A_171, %dma_wait3A_172] : memref<6x128x128xf32, #tpu.memory_space<vmem>> -> memref<1x128x128xf32, #tpu.memory_space<vmem>>
    %dma_wait3A_174 = tpu.memref_squeeze %dma_wait3A_173 : memref<1x128x128xf32, #tpu.memory_space<vmem>> -> memref<128x128xf32, #tpu.memory_space<vmem>>
    %dma_wait3A_175 = arith.constant 0 : i32
    %dma_wait3A_176 = tpu.memref_slice %arg4[%add3A_168, %dma_wait3A_175] : memref<204800x128xf32, #tpu.memory_space<hbm>> -> memref<128x128xf32, #tpu.memory_space<hbm>>
    %dma_wait3A_177 = tpu.memref_slice %arg8[%dma_wait3A_170] : memref<6x!tpu.dma_semaphore, #tpu.memory_space<semaphore_mem>> -> memref<1x!tpu.dma_semaphore, #tpu.memory_space<semaphore_mem>>
    %dma_wait3A_178 = tpu.memref_squeeze %dma_wait3A_177 : memref<1x!tpu.dma_semaphore, #tpu.memory_space<semaphore_mem>> -> memref<!tpu.dma_semaphore, #tpu.memory_space<semaphore_mem>>
    %dma_wait3A_179 = arith.constant 0 : i32
    %dma_wait3A_180 = tpu.memref_slice %arg4[%add3A_168, %dma_wait3A_179] : memref<204800x128xf32, #tpu.memory_space<hbm>> -> memref<128x128xf32, #tpu.memory_space<hbm>>
    %dma_wait3A_181 = arith.constant 0 : i32
    %dma_wait3A_182 = arith.constant 0 : i32
    %dma_wait3A_183 = tpu.memref_slice %arg6[%dma_wait3A_169, %dma_wait3A_181, %dma_wait3A_182] : memref<6x128x128xf32, #tpu.memory_space<vmem>> -> memref<1x128x128xf32, #tpu.memory_space<vmem>>
    %dma_wait3A_184 = tpu.memref_squeeze %dma_wait3A_183 : memref<1x128x128xf32, #tpu.memory_space<vmem>> -> memref<128x128xf32, #tpu.memory_space<vmem>>
    tpu.wait_dma2 semaphore(%dma_wait3A_178 : memref<!tpu.dma_semaphore, #tpu.memory_space<semaphore_mem>>) src(%dma_wait3A_184 : memref<128x128xf32, #tpu.memory_space<vmem>>) dst(%dma_wait3A_180 : memref<128x128xf32, #tpu.memory_space<hbm>>)
    %add3A_185 = arith.constant 6272 : i32
    %add3A_186 = arith.addi %mul3A_2, %add3A_185 : i32
    %dma_wait3A_187 = arith.constant 1 : i32
    %dma_wait3A_188 = arith.constant 1 : i32
    %dma_wait3A_189 = arith.constant 0 : i32
    %dma_wait3A_190 = arith.constant 0 : i32
    %dma_wait3A_191 = tpu.memref_slice %arg6[%dma_wait3A_187, %dma_wait3A_189, %dma_wait3A_190] : memref<6x128x128xf32, #tpu.memory_space<vmem>> -> memref<1x128x128xf32, #tpu.memory_space<vmem>>
    %dma_wait3A_192 = tpu.memref_squeeze %dma_wait3A_191 : memref<1x128x128xf32, #tpu.memory_space<vmem>> -> memref<128x128xf32, #tpu.memory_space<vmem>>
    %dma_wait3A_193 = arith.constant 0 : i32
    %dma_wait3A_194 = tpu.memref_slice %arg4[%add3A_186, %dma_wait3A_193] : memref<204800x128xf32, #tpu.memory_space<hbm>> -> memref<128x128xf32, #tpu.memory_space<hbm>>
    %dma_wait3A_195 = tpu.memref_slice %arg8[%dma_wait3A_188] : memref<6x!tpu.dma_semaphore, #tpu.memory_space<semaphore_mem>> -> memref<1x!tpu.dma_semaphore, #tpu.memory_space<semaphore_mem>>
    %dma_wait3A_196 = tpu.memref_squeeze %dma_wait3A_195 : memref<1x!tpu.dma_semaphore, #tpu.memory_space<semaphore_mem>> -> memref<!tpu.dma_semaphore, #tpu.memory_space<semaphore_mem>>
    %dma_wait3A_197 = arith.constant 0 : i32
    %dma_wait3A_198 = tpu.memref_slice %arg4[%add3A_186, %dma_wait3A_197] : memref<204800x128xf32, #tpu.memory_space<hbm>> -> memref<128x128xf32, #tpu.memory_space<hbm>>
    %dma_wait3A_199 = arith.constant 0 : i32
    %dma_wait3A_200 = arith.constant 0 : i32
    %dma_wait3A_201 = tpu.memref_slice %arg6[%dma_wait3A_187, %dma_wait3A_199, %dma_wait3A_200] : memref<6x128x128xf32, #tpu.memory_space<vmem>> -> memref<1x128x128xf32, #tpu.memory_space<vmem>>
    %dma_wait3A_202 = tpu.memref_squeeze %dma_wait3A_201 : memref<1x128x128xf32, #tpu.memory_space<vmem>> -> memref<128x128xf32, #tpu.memory_space<vmem>>
    tpu.wait_dma2 semaphore(%dma_wait3A_196 : memref<!tpu.dma_semaphore, #tpu.memory_space<semaphore_mem>>) src(%dma_wait3A_202 : memref<128x128xf32, #tpu.memory_space<vmem>>) dst(%dma_wait3A_198 : memref<128x128xf32, #tpu.memory_space<hbm>>)
    return
  }
}

</mosaic_0001>

<sc_bundles>
// kernel: kernel.3.cloned.1.call-start
scs
__scs_entry_jumppad:
0x0: {  	(pc) =	sbr.rel $0x88, $3  }
0x1: {  	(tag) =	ssettag $0x0;
	lr =	simm.s32 $0x1  }
0x2: {  	[smem:$0x3F9F] =	sst lr;
	_ =	strace $0xD0000000  }
0x3: {  	_ = 	snop  }
0x4: {  	_ = 	snop  }
0x5: {  	_ = 	snop  }
0x6: {  	_ = 	snop  }
0x7: {  	_ = 	snop  }
__scs_overlays_trampoline_lowered:
0x8: {  	[smem:$0x3FAE] =	sst s0  }
0x9: {  	[smem:$0x3FAF] =	sst s1  }
0xa: {  	[smem:$0x3FB0] =	sst s2  }
0xb: {  	[smem:$0x3FB1] =	sst s3  }
0xc: {  	[smem:$0x3FB2] =	sst s4  }
0xd: {  	[smem:$0x3FB3] =	sst s5  }
0xe: {  	[smem:$0x3FB4] =	sst s6  }
0xf: {  	[smem:$0x3FB5] =	sst s7  }
0x10: {  	[smem:$0x3FB6] =	sst s8  }
0x11: {  	[smem:$0x3FB7] =	sst s9;
	s0 =	simm.s32 @!p0 $0x0  }
0x12: {  	s1 =	sld [smem:$0x3F9D];
	s0 =	simm.s32 @p0 $0x1  }
0x13: {  	[smem:$0x3FB8] =	sst s0;
	s0 =	simm.s32 @!p1 $0x0  }
0x14: {  	s2 =	sld [smem:$0x3F9C];
	s0 =	simm.s32 @p1 $0x1  }
0x15: {  	[smem:$0x3FB9] =	sst s0;
	s0 =	simm.s32 @!p2 $0x0  }
0x16: {  	s3 =	sld [smem:$0x3FDB];
	s0 =	simm.s32 @p2 $0x1  }
0x17: {  	s4 =	simm.s32 $0x1BF5;
	[smem:$0x3FBB] =	sst s0  }
0x18: {  	s0 =	sld [smem:$0x3F9E];
	_ =	swait.ge [sflag:s4], $0x0  }
0x19: {  	s7 =	sld [smem:$0x3F9F]  }
0x1a: {  	s8 =	sadd.s32 $0xFFFFE003, lr  }
0x1b: {  	s9 =	sadd.s32 $0xFFFFFEF7, lr;
	s5 =	simm.s32 $0xFFFFFFFF;
	p2 =	slt.u32 s8, $0xFFFFF086  }
0x1c: {  	p1 =	slt.u32 s9, $0xF7A;
	s5 =	simm.s32 @!p2 $0x0  }
0x1d: {  	s5 =	simm.s32 @p1 $0x1;
	p0 =	seq.s32 s7, s2  }
0x1e: {  	s7 =	smul.u32 @!p0 $0xF7A, s2;
	p2 =	seq.s32 @!p0 s5, $0x0  }
0x1f: {  	s9 =	smul.u32 $0xF7A, s1;
	s8 =	simm.s32 @!p0 $0x1BF5;
	p2 =	por !p2, p0  }
0x20: {  	[sflag:s8] =	ssyncset.s32 @!p0 $0xFFFFF086;
	s6 =	sadd.s32 @!p0 s3, s7;
	s7 =	simm.s32 @!p0 $0x108  }
0x21: {  	s3 =	sadd.s32 s3, s9;
	s6 =	sadd.s32 @!p0 $0x88, s6;
	s7 =	simm.s32 @p2 $0x1082  }
0x22: {  	[simem:s7], [sflag:s8] =	dma.local @!p0 [hbm:s6], $0xF7A  }
0x23: {  	s9 =	sor.u32 $0xD0000000, s2;
	s6 =	simm.s32 $0x108;
	_ =	swait.ge @!p0 [sflag:s8], $0x0  }
0x24: {  	s3 =	sadd.s32 $0x88, s3;
	s6 =	simm.s32 @!p1 $0x1082;
	[sflag:s4] =	ssyncset.s32 $0xFFFFF086  }
0x25: {  	[simem:s6], [sflag:s4] =	dma.local [hbm:s3], $0xF7A  }
0x26: {  	[smem:$0x3F9F] =	sst s1;
	(tag) =	ssettag s2;
	_ =	strace s9  }
0x27: {  	s1 =	sld [smem:$0x3FAF]  }
0x28: {  	s2 =	sld [smem:$0x3FB0]  }
0x29: {  	s4 =	sld [smem:$0x3FB2]  }
0x2a: {  	p0 =	seq.s32 s5, $0x0;
	s5 =	sld [smem:$0x3FB3]  }
0x2b: {  	s6 =	sld [smem:$0x3FB4]  }
0x2c: {  	s7 =	sld [smem:$0x3FB5]  }
0x2d: {  	s3 =	simm.s32 $0x108;
	s8 =	sld [smem:$0x3FB6]  }
0x2e: {  	s3 =	simm.s32 @!p0 $0x1082;
	s9 =	sld [smem:$0x3FB7]  }
0x2f: {  	lr =	sadd.s32 s0, s3;
	s0 =	sld [smem:$0x3FAE]  }
0x30: {  	s3 =	sld [smem:$0x3FB1]  }
0x31: {  	[smem:$0x3FBA] =	sst s10  }
0x32: {  	s10 =	sld [smem:$0x3FB8];
	_ =	sdelay $0x3  }
0x33: {  	p0 =	seq.s32 s10, $0x1;
	s10 =	sld [smem:$0x3FBA];
	_ =	sdelay $0x3  }
0x34: {  	[smem:$0x3FBA] =	sst s10  }
0x35: {  	s10 =	sld [smem:$0x3FB9];
	_ =	sdelay $0x3  }
0x36: {  	p1 =	seq.s32 s10, $0x1;
	s10 =	sld [smem:$0x3FBA];
	_ =	sdelay $0x3  }
0x37: {  	[smem:$0x3FBA] =	sst s10  }
0x38: {  	s10 =	sld [smem:$0x3FBB]  }
0x39: {  	_ = 	snop;
	(pc) =	sbr.ind lr, $3  }
0x3a: {  	_ = 	snop  }
0x3b: {  	_ = 	snop  }
0x3c: {  	p2 =	seq.s32 s10, $0x1;
	s10 =	sld [smem:$0x3FBA]  }
0x3d: {  	_ =	shalt  }
0x3e: {  	_ =	shalt  }
0x3f: {  	_ =	shalt  }
0x40: {  	_ =	shalt  }
0x41: {  	_ =	shalt  }
0x42: {  	_ =	shalt  }
0x43: {  	_ =	shalt  }
0x44: {  	_ =	shalt  }
0x45: {  	_ =	shalt  }
0x46: {  	_ =	shalt  }
0x47: {  	_ =	shalt  }
0x48: {  	_ =	shalt  }
0x49: {  	_ =	shalt  }
0x4a: {  	_ =	shalt  }
0x4b: {  	_ =	shalt  }
0x4c: {  	_ =	shalt  }
0x4d: {  	_ =	shalt  }
0x4e: {  	_ =	shalt  }
0x4f: {  	_ =	shalt  }
0x50: {  	_ =	shalt  }
0x51: {  	_ =	shalt  }
0x52: {  	_ =	shalt  }
0x53: {  	_ =	shalt  }
0x54: {  	_ =	shalt  }
0x55: {  	_ =	shalt  }
0x56: {  	_ =	shalt  }
0x57: {  	_ =	shalt  }
0x58: {  	_ =	shalt  }
0x59: {  	_ =	shalt  }
0x5a: {  	_ =	shalt  }
0x5b: {  	_ =	shalt  }
0x5c: {  	_ =	shalt  }
0x5d: {  	_ =	shalt  }
0x5e: {  	_ =	shalt  }
0x5f: {  	_ =	shalt  }
0x60: {  	_ =	shalt  }
0x61: {  	_ =	shalt  }
0x62: {  	_ =	shalt  }
0x63: {  	_ =	shalt  }
0x64: {  	_ =	shalt  }
0x65: {  	_ =	shalt  }
0x66: {  	_ =	shalt  }
0x67: {  	_ =	shalt  }
0x68: {  	_ =	shalt  }
0x69: {  	_ =	shalt  }
0x6a: {  	_ =	shalt  }
0x6b: {  	_ =	shalt  }
0x6c: {  	_ =	shalt  }
0x6d: {  	_ =	shalt  }
0x6e: {  	_ =	shalt  }
0x6f: {  	_ =	shalt  }
0x70: {  	_ =	shalt  }
0x71: {  	_ =	shalt  }
0x72: {  	_ =	shalt  }
0x73: {  	_ =	shalt  }
0x74: {  	_ =	shalt  }
0x75: {  	_ =	shalt  }
0x76: {  	_ =	shalt  }
0x77: {  	_ =	shalt  }
0x78: {  	_ =	shalt  }
0x79: {  	_ =	shalt  }
0x7a: {  	_ =	shalt  }
0x7b: {  	_ =	shalt  }
0x7c: {  	_ =	shalt  }
0x7d: {  	_ =	shalt  }
0x7e: {  	_ =	shalt  }
0x7f: {  	_ =	shalt  }
0x80: {  	_ =	shalt  }
0x81: {  	_ =	shalt  }
0x82: {  	_ =	shalt  }
0x83: {  	_ =	shalt  }
0x84: {  	_ =	shalt  }
0x85: {  	_ =	shalt  }
0x86: {  	_ =	shalt  }
0x87: {  	_ =	shalt  }
.Lfunc_end0:
.L_simem_size_0:
called_computation_lowered:
.L_overlay_start_0:
0x88: {  	s2 =	sld [smem:$0x3FD9]  }
0x89: {  	s3 =	sld [smem:$0x3FFE];
	_ =	sdelay $0x1  }
0x8a: {  	s1 =	srdreg.scid  }
0x8b: {  	s0 =	sand.u32 $0x1, s1  }
0x8c: {  	s17 =	sshll.u32 s0, $0xA;
	s2 =	sadd.s32 s3, s2  }
0x8d: {  	s2 =	sadd.s32 s2, s17  }
0x8e: {  	[smem:$0x3FC6] =	sst s2  }
0x8f: {  	_ = 	snop  }
0x90: {  	s2 =	sld [smem:$0x3FC8]  }
0x91: {  	s18 =	sld [smem:$0x3FD0];
	(tm) =	ssettm $0x1  }
0x92: {  	s4 =	sld [smem:$0x3FFB];
	_ =	sdelay $0x3  }
0x93: {  	_ =	strace s4  }
0x94: {  	s4 =	sld [smem:$0x3FFC];
	_ =	sdelay $0x3  }
0x95: {  	_ =	strace s4  }
0x96: {  	s4 =	sld [smem:$0x3FFD];
	_ =	sdelay $0x3  }
0x97: {  	_ =	strace s4  }
0x98: {  	_ =	strace $0x8FFFFFFF  }
0x99: {  	s19 =	sld [smem:$0x3FDB];
	_ =	sdelay $0x1  }
0x9a: {  	s5 =	simm.s32 $_scs_section_size  }
0x9b: {  	s6 =	simm.s32 $_size__tile_overlayer_lowered;
	s7 =	simm.s32 $_tile_overlayer_lowered  }
0x9c: {  	s22 =	simm.s32 $0x1BFF;
	s21 =	sshll.u32 s7, $0x1;
	s4 =	sadd.s32 s5, s19  }
0x9d: {  	s8 =	simm.s32 $0x0;
	s20 =	sshll.u32 s6, $0x1;
	s6 =	sadd.s32 s21, s4  }
0x9e: {  	[timem:s8], [sflag:s22] =	dma.local [hbm:s6], s20  }
0x9f: {  	_ =	swait.ge [sflag:s22], s20  }
0xa0: {  	s5 =	ssub.s32 $0x0, s20;
	[sflag:s22] =	ssyncset.done $0x0  }
0xa1: {  	[sflag:s22] =	ssyncadd.s32 s5;
	_ =	sdelay $0x1  }
0xa2: {  	s23 =	simm.s32 $0x1B8B  }
0xa3: {  	_ =	swait.ge [sflag:s23], $0x1  }
0xa4: {  	[sflag:s23] =	ssyncset.done $0x0  }
0xa5: {  	s25 =	simm.s32 $0x1B8E;
	s24 =	sld [smem:$0x3FFE];
	[sflag:s23] =	ssyncadd.s32 $0xFFFFFFFF  }
0xa6: {  	s26 =	simm.s32 $execute0_lowered;
	[smem:$0x3FD2] =	sst s25  }
0xa7: {  	s6 =	sshll.u32 s26, $0x1;
	_ =	strace $0x80000046;
	[dreg:$0x1] =	wrdreg $0xFFFFFFFF  }
0xa8: {  	s28 =	simm.s32 $_size_execute0_lowered;
	s4 =	sadd.s32 s4, s6;
	[dreg:$0x0] =	wrdreg $0x0  }
0xa9: {  	s6 =	sshll.u32 s28, $0x1;
	[dreg:$0x2] =	wrdreg s4  }
0xaa: {  	[dreg:$0x3] =	wrdreg s6  }
0xab: {  	[dreg:$0x4] =	wrdreg $0xC0  }
0xac: {  	_ =	task [dreg:s8], $0x5FFFF  }
0xad: {  	[dreg:$0x1] =	wrdreg $0xFFFFFFFF  }
0xae: {  	[dreg:$0x0] =	wrdreg $0x60  }
0xaf: {  	[dreg:$0x2] =	wrdreg s24  }
0xb0: {  	[dreg:$0x3] =	wrdreg s2  }
0xb1: {  	[dreg:$0x4] =	wrdreg s18  }
0xb2: {  	[dreg:$0x5] =	wrdreg $0x9  }
0xb3: {  	_ =	task.clear_ibuf [dreg:s8], $0x6FFFF;
	_ =	strace $0x90000046  }
0xb4: {  	s29 =	simm.s32 $0x9;
	_ =	strace $0x80000048  }
0xb5: {  	_ =	swait.ge [sflag:s29], $0x1  }
0xb6: {  	[sflag:s29] =	ssyncadd.s32 $0xFFFFFFFF  }
0xb7: {  	_ =	strace $0x90000048  }
0xb8: {  	_ =	sfence  }
0xb9: {  	s30 =	sld [smem:$0x0];
	_ =	sdelay $0x2  }
0xba: {  	s31 =	sshll.u32 s1, $0xD;
	s1 =	sshrl.u32 s1, $0x2  }
0xbb: {  	s3 =	sand.u32 $0x4000, s31;
	s1 =	sadd.s32 s1, s30  }
0xbc: {  	s0 =	sor.u32 s3, s0;
	s1 =	sshll.u32 s1, $0x11  }
0xbd: {  	s0 =	sor.u32 s1, s0  }
0xbe: {  	s0 =	sadd.s32 $0x8F2B, s0  }
0xbf: {  	[sflag:s0] =	ssyncadd.remote.s32 $0x1  }
0xc0: {  	_ =	sfence.sel $0xFFFF  }
0xc1: {  	[dreg:$0x0] =	wrdreg $0xFFFFFFFF;
	(pc) =	sbr.abs _section_cstart, $3  }
0xc2: {  	[dreg:$0x1] =	wrdreg $0xFFFFFFFF  }
0xc3: {  	_ =	task.clear_ibuf [dreg:s8], $0x2FFFF;
	_ =	strace $0x9FFFFFFF  }
0xc4: {  	(tm) =	ssettm $0x7FFFFFFF  }
0xc5: {  	_ =	shalt  }
tec
execute0_lowered:
.L_overlay_start_1:
0x0: {  	(tag) =	ssettag $0x1  }
0x1: {  	s0 =	rddreg [dreg:$0x0]  }
0x2: {  	s2 =	rddreg [dreg:$0x1]  }
0x3: {  	s1 =	rddreg [dreg:$0x2]  }
0x4: {  	s3 =	srdreg.scid;
	s6 =	stileid.u32;
	s14 =	simm.s32 $0x200  }
0x5: {  	s15 =	simm.s32 $0x11C00;
	s16 =	simm.s32 $0x280;
	s17 =	simm.s32 $0x15C00  }
0x6: {  	s18 =	simm.s32 $0x9;
	s19 =	simm.s32 $0xA;
	s20 =	simm.s32 $0xB  }
0x7: {  	s21 =	simm.s32 $0xC;
	s22 =	simm.s32 $0x7;
	s23 =	simm.s32 $0x8  }
0x8: {  	s24 =	simm.s32 $0x0;
	s4 =	sand.u32 $0x1, s3;
	s5 =	sshll.u32 s6, $0x1  }
0x9: {  	s6 =	smul.u32 $0x190000, s6;
	s3 =	simm.s32 $0x0;
	s5 =	sor.u32 s4, s5  }
0xa: {  	s7 =	smul.u32 $0xC8000, s4;
	[smem:$0x7FF] =	sst s3;
	s4 =	ssub.s32 $0x2, s4  }
0xb: {  	s5 =	smul.u32 $0x380, s5;
	_ =	strace $0x80000047;
	s8 =	sshrl.u32 s4, $0x1  }
0xc: {  	s6 =	sadd.s32 s7, s6;
	s31 =	ssub.s32 s4, s8;
	s7 =	simm.s32 $0xD  }
0xd: {  	s8 =	simm.s32 $0x80;
	s0 =	sadd.s32 s5, s0;
	s6 =	sshrl.u32 s6, $0x3  }
0xe: {  	s5 =	smax.u32 s31, $0x1;
	s4 =	sadd.s32 $0x400, s0;
	s6 =	sadd.s32 s6, s1  }
.LBB2_1:
0xf: {  	[tilespmem:s3], [sflag:$0xD] =	stream.linear.gather [hbm4b:s4+s3], $0x1900, $0x38;
	[tilespmem:$0x19C00] =	vst v63  }
0x10: {  	_ =	swait.ge [sflag:s7], $0x1900  }
0x11: {  	[sflag:s7] =	ssyncset.done $0x0  }
0x12: {  	s0 =	simm.s32 $0x1C00;
	s26 =	simm.s32 $0x0;
	[sflag:s7] =	ssyncadd.s32 $0xFFFFE700  }
0x13: {  	[tilespmem:s0], [sflag:$0x1] =	stream.indirect.gather [hbm4b:s2+s8], $0x80, s3, s8, $0xb8;
	[tilespmem:$0x19C00] =	vst v63  }
0x14: {  	s12 =	simm.s32 $0x5C00;
	s0 =	smul.u32 $0xAB, s26  }
0x15: {  	[tilespmem:s12], [sflag:$0x2] =	stream.indirect.gather [hbm4b:s2+s8], $0x80, s8, s8, $0xb8;
	[tilespmem:$0x19C00] =	vst v63  }
0x16: {  	s13 =	simm.s32 $0x100;
	s1 =	simm.s32 $0x9C00;
	s0 =	sshrl.u32 s0, $0xA  }
0x17: {  	s28 =	simm.s32 $0x180;
	s25 =	simm.s32 $0xDC00;
	s0 =	sand.u32 $0x3F, s0  }
0x18: {  	[tilespmem:s1], [sflag:$0x3] =	stream.indirect.gather [hbm4b:s2+s8], $0x80, s13, s8, $0xb8;
	[tilespmem:$0x19C00] =	vst v63  }
0x19: {  	p0 =	por $0x1, $0x1;
	s1 =	simm.s32 $0xFFFFFFFD;
	s0 =	smul.u32 $0x6, s0  }
0x1a: {  	s30 =	simm.s32 $0xFFFFFFFF;
	s1 =	smul.u32 @!p0 $0xAB, s1;
	p0 =	por p0, p0  }
0x1b: {  	[tilespmem:s25], [sflag:$0x4] =	stream.indirect.gather [hbm4b:s2+s8], $0x80, s28, s8, $0xb8;
	[tilespmem:$0x19C00] =	vst v63  }
0x1c: {  	s31 =	simm.s32 $0x1;
	s0 =	ssub.s32 $0x0, s0;
	s1 =	sshrl.u32 @!p0 s1, $0xA  }
0x1d: {  	[tilespmem:s15], [sflag:$0x5] =	stream.indirect.gather [hbm4b:s2+s8], $0x80, s14, s8, $0xb8;
	[tilespmem:$0x19C00] =	vst v63  }
0x1e: {  	s29 =	sadd.s32 $0x800, s6;
	s0 =	sand.u32 $0xFF, s0;
	s1 =	sand.u32 @!p0 $0x3F, s1  }
0x1f: {  	s26 =	simm.s32 $0xFFFFFFFE;
	s9 =	sadd.s32 $0x1, s0;
	s1 =	smul.u32 @!p0 $0x6, s1  }
0x20: {  	[tilespmem:s17], [sflag:$0x6] =	stream.indirect.gather [hbm4b:s2+s8], $0x80, s16, s8, $0xb8;
	[tilespmem:$0x19C00] =	vst v63  }
0x21: {  	s25 =	simm.s32 $0x200;
	s10 =	sshll.u32 s0, $0xE;
	_ =	swait.ge [sflag:s9], $0x4000  }
0x22: {  	s0 =	sadd.s32 $0x7, s0;
	s1 =	ssub.s32 @!p0 $0xFFFFFFFD, s1;
	[sflag:s9] =	ssyncset.done $0x0  }
0x23: {  	s10 =	sor.u32 $0x1C00, s10;
	[sflag:s9] =	ssyncadd.s32 $0xFFFFC000;
	s9 =	sand.u32 @!p0 $0xFF, s1  }
0x24: {  	[hbm4b:s6+s3] =	stream.linear.scatter [tilespmem:s10], [sflag:s0], $0x4000, $0x38;
	[tilespmem:$0x19C00] =	vst v63  }
0x25: {  	s10 =	smul.u32 $0xAB, s31;
	s0 =	sadd.s32 @!p0 $0x7, s9;
	s1 =	sshll.u32 @!p0 s9, $0xE  }
.LBB2_2:
0x26: {  	p2 =	sgt.u32 s26, $0x2B;
	_ =	swait.ge @!p0 [sflag:s0], $0x4000;
	s9 =	sadd.s32 @!p0 $0x1, s9  }
0x27: {  	s11 =	smov.u32 s26;
	s26 =	smov.u32 s30;
	s12 =	smov.u32 s29  }
0x28: {  	s13 =	simm.s32 @!p0 $0x80;
	s10 =	sshrl.u32 s10, $0xA;
	[sflag:s0] =	ssyncset.done @!p0 $0x0  }
0x29: {  	s1 =	sor.u32 @!p0 $0x1C00, s1;
	s10 =	sand.u32 $0x3F, s10;
	[sflag:s0] =	ssyncadd.s32 @!p0 $0xFFFFC000  }
0x2a: {  	[tilespmem:s1], [sflag:s9] =	stream.indirect.gather @!p0 [hbm4b:s2+s13], $0x80, s28, s13, $0xb8;
	[tilespmem:$0x19C00] =	vst v63  }
0x2b: {  	s30 =	sadd.s32 $0x1, s30;
	s0 =	smul.u32 $0x6, s10;
	s28 =	smov.u32 s25  }
0x2c: {  	p1 =	sne.s32 s30, $0x2F;
	s1 =	smul.u32 @!p2 $0xAB, s11;
	p0 =	por p2, p2  }
0x2d: {  	s0 =	ssub.s32 s31, s0  }
0x2e: {  	s1 =	sshrl.u32 @!p0 s1, $0xA;
	s0 =	sand.u32 $0xFF, s0  }
0x2f: {  	s1 =	sand.u32 @!p0 $0x3F, s1;
	s9 =	sadd.s32 $0x1, s0;
	s10 =	sshll.u32 s0, $0xE  }
0x30: {  	s25 =	sadd.s32 $0x80, s25;
	s1 =	smul.u32 @!p0 $0x6, s1;
	_ =	swait.ge [sflag:s9], $0x4000  }
.Ltmp0:
0x31: {  	s10 =	sor.u32 $0x1C00, s10;
	[sflag:s9] =	ssyncset.done $0x0;
	(pc) =	sbr.rel @p1 .LBB2_2-.Ltmp0, $4  }
0x32: {  	s0 =	sadd.s32 $0x7, s0;
	s1 =	ssub.s32 @!p0 s11, s1;
	[sflag:s9] =	ssyncadd.s32 $0xFFFFC000  }
0x33: {  	s29 =	sadd.s32 $0x800, s29;
	s31 =	sadd.s32 $0x3, s26;
	s9 =	sand.u32 @!p0 $0xFF, s1  }
0x34: {  	[hbm4b:s12+s3] =	stream.linear.scatter [tilespmem:s10], [sflag:s0], $0x4000, $0x38;
	[tilespmem:$0x19C00] =	vst v63  }
0x35: {  	s1 =	sshll.u32 @!p0 s9, $0xE;
	s10 =	smul.u32 $0xAB, s31;
	s0 =	sadd.s32 @!p0 $0x7, s9  }
0x36: {  	_ =	swait.ge @!p0 [sflag:s0], $0x4000;
	s9 =	sadd.s32 @!p0 $0x1, s9  }
0x37: {  	s11 =	simm.s32 @!p0 $0x80;
	s10 =	sshrl.u32 s10, $0xA;
	[sflag:s0] =	ssyncset.done @!p0 $0x0  }
0x38: {  	s1 =	sor.u32 @!p0 $0x1C00, s1;
	s10 =	sand.u32 $0x3F, s10;
	[sflag:s0] =	ssyncadd.s32 @!p0 $0xFFFFC000  }
0x39: {  	[tilespmem:s1], [sflag:s9] =	stream.indirect.gather @!p0 [hbm4b:s2+s11], $0x80, s28, s11, $0xb8;
	[tilespmem:$0x19C00] =	vst v63  }
0x3a: {  	p0 =	sgt.u32 s26, $0x2B;
	s28 =	smul.u32 $0x6, s10  }
0x3b: {  	s1 =	smul.u32 @!p0 $0xAB, s26  }
0x3c: {  	p0 =	por p0, p0  }
0x3d: {  	s0 =	ssub.s32 s31, s28;
	s1 =	sshrl.u32 @!p0 s1, $0xA  }
0x3e: {  	s0 =	sand.u32 $0xFF, s0;
	s1 =	sand.u32 @!p0 $0x3F, s1  }
0x3f: {  	s30 =	sadd.s32 $0x1, s0;
	s1 =	smul.u32 @!p0 $0x6, s1  }
0x40: {  	s31 =	sshll.u32 s0, $0xE;
	_ =	swait.ge [sflag:s30], $0x4000  }
0x41: {  	s0 =	sadd.s32 $0x7, s0;
	[sflag:s30] =	ssyncset.done $0x0;
	s1 =	ssub.s32 @!p0 s26, s1  }
0x42: {  	s10 =	sor.u32 $0x1C00, s31;
	[sflag:s30] =	ssyncadd.s32 $0xFFFFC000;
	s1 =	sand.u32 @!p0 $0xFF, s1  }
0x43: {  	[hbm4b:s29+s3] =	stream.linear.scatter [tilespmem:s10], [sflag:s0], $0x4000, $0x38;
	[tilespmem:$0x19C00] =	vst v63  }
0x44: {  	s0 =	sadd.s32 @!p0 $0x7, s1  }
0x45: {  	_ =	swait.ge @!p0 [sflag:s0], $0x4000  }
0x46: {  	s10 =	simm.s32 @!p0 $0x80;
	s9 =	sshll.u32 @!p0 s1, $0xE;
	[sflag:s0] =	ssyncset.done @!p0 $0x0  }
0x47: {  	s1 =	sadd.s32 @!p0 $0x1, s1;
	s9 =	sor.u32 @!p0 $0x1C00, s9;
	[sflag:s0] =	ssyncadd.s32 @!p0 $0xFFFFC000  }
0x48: {  	[tilespmem:s9], [sflag:s1] =	stream.indirect.gather @!p0 [hbm4b:s2+s10], $0x80, s25, s10, $0xb8;
	[tilespmem:$0x19C00] =	vst v63  }
0x49: {  	_ =	swait.ge [sflag:s18], $0x4000  }
0x4a: {  	[sflag:s18] =	ssyncset.done $0x0  }
0x4b: {  	[sflag:s18] =	ssyncadd.s32 $0xFFFFC000  }
0x4c: {  	_ =	swait.ge [sflag:s19], $0x4000  }
0x4d: {  	[sflag:s19] =	ssyncset.done $0x0  }
0x4e: {  	[sflag:s19] =	ssyncadd.s32 $0xFFFFC000  }
0x4f: {  	_ =	swait.ge [sflag:s20], $0x4000  }
0x50: {  	[sflag:s20] =	ssyncset.done $0x0  }
0x51: {  	[sflag:s20] =	ssyncadd.s32 $0xFFFFC000  }
0x52: {  	_ =	swait.ge [sflag:s21], $0x4000  }
0x53: {  	[sflag:s21] =	ssyncset.done $0x0  }
0x54: {  	s24 =	sadd.s32 $0x1, s24;
	[sflag:s21] =	ssyncadd.s32 $0xFFFFC000  }
0x55: {  	p0 =	sne.s32 s24, s5;
	_ =	swait.ge [sflag:s22], $0x4000  }
.Ltmp1:
0x56: {  	[sflag:s22] =	ssyncset.done $0x0;
	(pc) =	sbr.rel @p0 .LBB2_1-.Ltmp1, $4  }
0x57: {  	[sflag:s22] =	ssyncadd.s32 $0xFFFFC000  }
0x58: {  	_ =	swait.ge [sflag:s23], $0x4000  }
0x59: {  	[sflag:s23] =	ssyncset.done $0x0  }
0x5a: {  	[sflag:s23] =	ssyncadd.s32 $0xFFFFC000  }
0x5b: {  	_ =	sfence.sel $0x180000  }
0x5c: {  	[bflag:$0x0] =	sbarrier.arrive $0xFFFF  }
0x5d: {  	_ =	strace $0x90000047  }
0x5e: {  	s0 =	stileid.u32;
	[bflag:$0x2] =	sbarrier.arrive $0xFFFF  }
0x5f: {  	p0 =	sne.s32 s0, $0x0;
	s0 =	rddreg [dreg:$0x3]  }
0x60: {  	s0 =	sadd.s32 @!p0 $0x100000, s0  }
0x61: {  	[sflag:s0] =	ssyncadd.tile.s32 @!p0 $0x1;
	_ =	shalt  }
.Lfunc_end2:
_tile_overlayer_lowered:
.L_overlay_start_2:
0x62: {  	(tag) =	ssettag $0x2  }
0x63: {  	s0 =	rddreg [dreg:$0x0];
	s2 =	stileid.u32  }
0x64: {  	s1 =	rddreg [dreg:$0x1];
	p0 =	sne.s32 s2, $0x0  }
0x65: {  	s3 =	rddreg [dreg:$0x2];
	[bflag:$0x3] =	sbarrier.arrive $0xFFFF;
	s2 =	simm.s32 @!p0 $0x1C0D  }
0x66: {  	[timem:s3], [sflag:s2] =	dma.local @!p0 [hbm:s0], s1  }
0x67: {  	s0 =	simm.s32 @!p0 $0xD  }
0x68: {  	_ =	swait.ge @!p0 [sflag:s0], s1  }
0x69: {  	s1 =	ssub.s32 @!p0 $0x0, s1;
	[sflag:s0] =	ssyncset.done @!p0 $0x0  }
0x6a: {  	[sflag:s0] =	ssyncadd.s32 @!p0 s1  }
0x6b: {  	[bflag:$0x3] =	sbarrier.arrive $0xFFFF  }
0x6c: {  	_ =	shalt  }

</sc_bundles>
